<compile_context>
chip_gen: v7x
topology: tpu7x:2x2x1
jax: 0.10.2.dev20260603
libtpu: 0.0.44.dev20260713+nightly
codegen_flags: <defaults>
</compile_context>

<pallas_src>
import functools

import jax
import jax.numpy as jnp
from jax import lax
from jax.experimental import pallas as pl
from jax.experimental.pallas import tpu as pltpu
from jax.experimental.pallas import tpu_sc as plsc

OUT_DIM = 128
B_TOTAL = 1024 * 300
NUM_WORKERS = 32
BPW = B_TOTAL // NUM_WORKERS
CHUNK = 200
NBUF = 4
NCHUNK = BPW // CHUNK


def _make_gather():
    mesh = plsc.VectorSubcoreMesh(core_axis_name="c", subcore_axis_name="s")

    @functools.partial(
        pl.kernel,
        mesh=mesh,
        out_type=jax.ShapeDtypeStruct((B_TOTAL, OUT_DIM), jnp.float32),
        scratch_types=[
            pltpu.VMEM((BPW,), jnp.int32),
            pltpu.VMEM((NBUF, CHUNK, OUT_DIM), jnp.float32),
            pltpu.SemaphoreType.DMA,
            pltpu.SemaphoreType.DMA,
            pltpu.SemaphoreType.DMA,
            pltpu.SemaphoreType.DMA,
        ],
    )
    def gather_kernel(idx_hbm, table_hbm, out_hbm, idx_v, rows_v, s0, s1, s2, s3):
        wid = lax.axis_index("s") * 2 + lax.axis_index("c")
        base = wid * BPW
        sems = (s0, s1, s2, s3)
        pltpu.sync_copy(idx_hbm.at[pl.ds(base, BPW)], idx_v)

        def body(j, carry):
            c0 = j * NBUF
            handles = []
            for b in range(NBUF):
                off = (c0 + b) * CHUNK
                handles.append(
                    pltpu.async_copy(
                        table_hbm.at[idx_v.at[pl.ds(off, CHUNK)]],
                        rows_v.at[b],
                        sems[b],
                    )
                )
            for b in range(NBUF):
                off = (c0 + b) * CHUNK
                handles[b].wait()
                pltpu.sync_copy(rows_v.at[b], out_hbm.at[pl.ds(base + off, CHUNK)])
            return carry

        lax.fori_loop(0, NCHUNK // NBUF, body, 0)

    return gather_kernel


_gather = _make_gather()


def kernel(input_ids, attention_mask, W):
    ids_flat = input_ids.reshape(-1)
    embeds = _gather(ids_flat, W)
    embeds = embeds.reshape(input_ids.shape[0], input_ids.shape[1], OUT_DIM)
    return (embeds, embeds, attention_mask)

# --- scband reference (transcript-rebuilt; emitter-appended) ---
"""Pipeline reference for scband-qw-text-conditioner-27049704030655 (READ-ONLY COPY).

The authoritative reference and input builder live on the scoring server;
editing this copy changes nothing except your own understanding.
"""

import jax, jax.numpy as jnp
import numpy as np

VOCAB = 151646  # len(Qwen2Tokenizer.get_vocab())
OUT_DIM = 128
MAX_LEN = 300
PAD_ID = 151643
BATCH = 1024
SEQ = 300


def pad_2d_tensor(x, max_len, pad_id):
    b, s = x.shape
    if s > max_len:
        return x[:, :max_len]
    if s < max_len:
        pad = jnp.full((b, max_len - s), pad_id, dtype=x.dtype)
        return jnp.concatenate([x, pad], axis=1)
    return x


def setup_inputs(seed: int = 0) -> dict:
    key = jax.random.key(seed)
    k1, k2 = jax.random.split(key)
    input_ids = jax.random.randint(k1, (BATCH, SEQ), 0, VOCAB, dtype=jnp.int32)
    attention_mask = jnp.ones((BATCH, SEQ), dtype=jnp.int32)
    # nn.Embedding(voc_size, output_dim, padding_idx=151643): N(0,1) init, padding row zeroed
    W = jax.random.normal(k2, (VOCAB, OUT_DIM), dtype=jnp.float32)
    W = W.at[PAD_ID].set(0.0)
    return {"input_ids": input_ids, "attention_mask": attention_mask, "W": W}


def reference(input_ids, attention_mask, W):
    # QwTextConditioner.forward: pad/truncate tokens & mask to max_len, then embedding lookup
    tokens = pad_2d_tensor(input_ids, MAX_LEN, PAD_ID)
    mask = pad_2d_tensor(attention_mask, MAX_LEN, 0)
    embeds = jnp.take(W, tokens, axis=0)  # [B, T, D] gather == nn.Embedding
    return (embeds, embeds, mask)

if __name__ == "__main__":
    import jax
    _d = setup_inputs()
    print(jax.jit(kernel)(*tuple(_d.values())))

</pallas_src>

<mosaic_0001>
#map = affine_map<(d0, d1) -> (0)>
#map1 = affine_map<(d0, d1) -> (0, 0)>
module attributes {stable_mosaic.version = 14 : i64} {
  func.func @gather_kernel(%arg0: i32, %arg1: i32, %arg2: memref<307200xi32, #tpu.memory_space<hbm>>, %arg3: memref<151646x128xf32, #tpu.memory_space<hbm>>, %arg4: memref<307200x128xf32, #tpu.memory_space<hbm>>, %arg5: memref<9600xi32, #tpu.memory_space<vmem>>, %arg6: memref<4x200x128xf32, #tpu.memory_space<vmem>>, %arg7: memref<!tpu.dma_semaphore, #tpu.memory_space<semaphore_mem>>, %arg8: memref<!tpu.dma_semaphore, #tpu.memory_space<semaphore_mem>>, %arg9: memref<!tpu.dma_semaphore, #tpu.memory_space<semaphore_mem>>, %arg10: memref<!tpu.dma_semaphore, #tpu.memory_space<semaphore_mem>>) attributes {dimension_semantics = [#tpu.dimension_semantics<core_parallel>, #tpu.dimension_semantics<subcore_parallel>], iteration_bounds = array<i64: 2, 16>, scalar_prefetch = 0 : i64, scratch_operands = 6 : i64, tpu.core_type = #tpu.core_type<sc_vector_subcore>, window_params = [{transform_indices = #map}, {transform_indices = #map1}, {transform_indices = #map1}]} {
    %mul3A = arith.constant 2 : i32
    %mul3A_0 = arith.muli %arg1, %mul3A : i32
    %add3A = arith.addi %mul3A_0, %arg0 : i32
    %mul3A_1 = arith.constant 9600 : i32
    %mul3A_2 = arith.muli %add3A, %mul3A_1 : i32
    "tpu.region"() ({
      %run_scoped3A = tpu.sem_alloc : memref<!tpu.dma_semaphore, #tpu.memory_space<semaphore_mem>>
      %dma_start3A = tpu.memref_slice %arg2[%mul3A_2] : memref<307200xi32, #tpu.memory_space<hbm>> -> memref<9600xi32, #tpu.memory_space<hbm>>
      %dma_start3A_8 = tpu.memref_slice %arg2[%mul3A_2] : memref<307200xi32, #tpu.memory_space<hbm>> -> memref<9600xi32, #tpu.memory_space<hbm>>
      tpu.enqueue_dma source(%dma_start3A_8 : memref<9600xi32, #tpu.memory_space<hbm>>) target(%arg5 : memref<9600xi32, #tpu.memory_space<vmem>>) target_semaphore(%run_scoped3A : memref<!tpu.dma_semaphore, #tpu.memory_space<semaphore_mem>>)
      %dma_wait3A = tpu.memref_slice %arg2[%mul3A_2] : memref<307200xi32, #tpu.memory_space<hbm>> -> memref<9600xi32, #tpu.memory_space<hbm>>
      %dma_wait3A_9 = tpu.memref_slice %arg2[%mul3A_2] : memref<307200xi32, #tpu.memory_space<hbm>> -> memref<9600xi32, #tpu.memory_space<hbm>>
      tpu.wait_dma2 semaphore(%run_scoped3A : memref<!tpu.dma_semaphore, #tpu.memory_space<semaphore_mem>>) src(%dma_wait3A_9 : memref<9600xi32, #tpu.memory_space<hbm>>) dst(%arg5 : memref<9600xi32, #tpu.memory_space<vmem>>)
      tpu.yield
    }) : () -> ()
    %scan3A = arith.constant 0 : i32
    %scan3A_3 = arith.constant 0 : i32
    %scan3A_4 = arith.constant 12 : i32
    %scan3A_5 = arith.addi %scan3A_3, %scan3A_4 : i32
    %scan3A_6 = arith.constant 1 : i32
    scf.for %scan3A_8 = %scan3A_3 to %scan3A_5 step %scan3A_6  : i32 {
      %mul3A_9 = arith.constant 4 : i32
      %mul3A_10 = arith.muli %scan3A_8, %mul3A_9 : i32
      %add3A_11 = arith.constant 0 : i32
      %add3A_12 = arith.addi %mul3A_10, %add3A_11 : i32
      %mul3A_13 = arith.constant 200 : i32
      %mul3A_14 = arith.muli %add3A_12, %mul3A_13 : i32
      %dma_start3A = arith.constant 0 : i32
      %dma_start3A_15 = arith.constant 0 : i32
      %dma_start3A_16 = arith.constant 0 : i32
      %dma_start3A_17 = tpu.memref_slice %arg6[%dma_start3A, %dma_start3A_15, %dma_start3A_16] : memref<4x200x128xf32, #tpu.memory_space<vmem>> -> memref<1x200x128xf32, #tpu.memory_space<vmem>>
      %dma_start3A_18 = tpu.memref_squeeze %dma_start3A_17 : memref<1x200x128xf32, #tpu.memory_space<vmem>> -> memref<200x128xf32, #tpu.memory_space<vmem>>
      %dma_start3A_19 = tpu.memref_slice %arg5[%mul3A_14] : memref<9600xi32, #tpu.memory_space<vmem>> -> memref<200xi32, #tpu.memory_space<vmem>>
      %dma_start3A_20 = arith.constant 0 : i32
      %dma_start3A_21 = arith.constant 0 : i32
      %dma_start3A_22 = tpu.memref_slice %arg3[%dma_start3A_20, %dma_start3A_21] : memref<151646x128xf32, #tpu.memory_space<hbm>> -> memref<151646x128xf32, #tpu.memory_space<hbm>>
      tpu.enqueue_indirect_dma source(%dma_start3A_22 : memref<151646x128xf32, #tpu.memory_space<hbm>>) target(%dma_start3A_18 : memref<200x128xf32, #tpu.memory_space<vmem>>) offsets(%dma_start3A_19 : memref<200xi32, #tpu.memory_space<vmem>>) semaphore(%arg7 : memref<!tpu.dma_semaphore, #tpu.memory_space<semaphore_mem>>)
      %add3A_23 = arith.constant 1 : i32
      %add3A_24 = arith.addi %mul3A_10, %add3A_23 : i32
      %mul3A_25 = arith.constant 200 : i32
      %mul3A_26 = arith.muli %add3A_24, %mul3A_25 : i32
      %dma_start3A_27 = arith.constant 1 : i32
      %dma_start3A_28 = arith.constant 0 : i32
      %dma_start3A_29 = arith.constant 0 : i32
      %dma_start3A_30 = tpu.memref_slice %arg6[%dma_start3A_27, %dma_start3A_28, %dma_start3A_29] : memref<4x200x128xf32, #tpu.memory_space<vmem>> -> memref<1x200x128xf32, #tpu.memory_space<vmem>>
      %dma_start3A_31 = tpu.memref_squeeze %dma_start3A_30 : memref<1x200x128xf32, #tpu.memory_space<vmem>> -> memref<200x128xf32, #tpu.memory_space<vmem>>
      %dma_start3A_32 = tpu.memref_slice %arg5[%mul3A_26] : memref<9600xi32, #tpu.memory_space<vmem>> -> memref<200xi32, #tpu.memory_space<vmem>>
      %dma_start3A_33 = arith.constant 0 : i32
      %dma_start3A_34 = arith.constant 0 : i32
      %dma_start3A_35 = tpu.memref_slice %arg3[%dma_start3A_33, %dma_start3A_34] : memref<151646x128xf32, #tpu.memory_space<hbm>> -> memref<151646x128xf32, #tpu.memory_space<hbm>>
      tpu.enqueue_indirect_dma source(%dma_start3A_35 : memref<151646x128xf32, #tpu.memory_space<hbm>>) target(%dma_start3A_31 : memref<200x128xf32, #tpu.memory_space<vmem>>) offsets(%dma_start3A_32 : memref<200xi32, #tpu.memory_space<vmem>>) semaphore(%arg8 : memref<!tpu.dma_semaphore, #tpu.memory_space<semaphore_mem>>)
      %add3A_36 = arith.constant 2 : i32
      %add3A_37 = arith.addi %mul3A_10, %add3A_36 : i32
      %mul3A_38 = arith.constant 200 : i32
      %mul3A_39 = arith.muli %add3A_37, %mul3A_38 : i32
      %dma_start3A_40 = arith.constant 2 : i32
      %dma_start3A_41 = arith.constant 0 : i32
      %dma_start3A_42 = arith.constant 0 : i32
      %dma_start3A_43 = tpu.memref_slice %arg6[%dma_start3A_40, %dma_start3A_41, %dma_start3A_42] : memref<4x200x128xf32, #tpu.memory_space<vmem>> -> memref<1x200x128xf32, #tpu.memory_space<vmem>>
      %dma_start3A_44 = tpu.memref_squeeze %dma_start3A_43 : memref<1x200x128xf32, #tpu.memory_space<vmem>> -> memref<200x128xf32, #tpu.memory_space<vmem>>
      %dma_start3A_45 = tpu.memref_slice %arg5[%mul3A_39] : memref<9600xi32, #tpu.memory_space<vmem>> -> memref<200xi32, #tpu.memory_space<vmem>>
      %dma_start3A_46 = arith.constant 0 : i32
      %dma_start3A_47 = arith.constant 0 : i32
      %dma_start3A_48 = tpu.memref_slice %arg3[%dma_start3A_46, %dma_start3A_47] : memref<151646x128xf32, #tpu.memory_space<hbm>> -> memref<151646x128xf32, #tpu.memory_space<hbm>>
      tpu.enqueue_indirect_dma source(%dma_start3A_48 : memref<151646x128xf32, #tpu.memory_space<hbm>>) target(%dma_start3A_44 : memref<200x128xf32, #tpu.memory_space<vmem>>) offsets(%dma_start3A_45 : memref<200xi32, #tpu.memory_space<vmem>>) semaphore(%arg9 : memref<!tpu.dma_semaphore, #tpu.memory_space<semaphore_mem>>)
      %add3A_49 = arith.constant 3 : i32
      %add3A_50 = arith.addi %mul3A_10, %add3A_49 : i32
      %mul3A_51 = arith.constant 200 : i32
      %mul3A_52 = arith.muli %add3A_50, %mul3A_51 : i32
      %dma_start3A_53 = arith.constant 3 : i32
      %dma_start3A_54 = arith.constant 0 : i32
      %dma_start3A_55 = arith.constant 0 : i32
      %dma_start3A_56 = tpu.memref_slice %arg6[%dma_start3A_53, %dma_start3A_54, %dma_start3A_55] : memref<4x200x128xf32, #tpu.memory_space<vmem>> -> memref<1x200x128xf32, #tpu.memory_space<vmem>>
      %dma_start3A_57 = tpu.memref_squeeze %dma_start3A_56 : memref<1x200x128xf32, #tpu.memory_space<vmem>> -> memref<200x128xf32, #tpu.memory_space<vmem>>
      %dma_start3A_58 = tpu.memref_slice %arg5[%mul3A_52] : memref<9600xi32, #tpu.memory_space<vmem>> -> memref<200xi32, #tpu.memory_space<vmem>>
      %dma_start3A_59 = arith.constant 0 : i32
      %dma_start3A_60 = arith.constant 0 : i32
      %dma_start3A_61 = tpu.memref_slice %arg3[%dma_start3A_59, %dma_start3A_60] : memref<151646x128xf32, #tpu.memory_space<hbm>> -> memref<151646x128xf32, #tpu.memory_space<hbm>>
      tpu.enqueue_indirect_dma source(%dma_start3A_61 : memref<151646x128xf32, #tpu.memory_space<hbm>>) target(%dma_start3A_57 : memref<200x128xf32, #tpu.memory_space<vmem>>) offsets(%dma_start3A_58 : memref<200xi32, #tpu.memory_space<vmem>>) semaphore(%arg10 : memref<!tpu.dma_semaphore, #tpu.memory_space<semaphore_mem>>)
      %add3A_62 = arith.constant 0 : i32
      %add3A_63 = arith.addi %mul3A_10, %add3A_62 : i32
      %mul3A_64 = arith.constant 200 : i32
      %mul3A_65 = arith.muli %add3A_63, %mul3A_64 : i32
      %dma_wait3A = arith.constant 0 : i32
      %dma_wait3A_66 = arith.constant 0 : i32
      %dma_wait3A_67 = arith.constant 0 : i32
      %dma_wait3A_68 = tpu.memref_slice %arg6[%dma_wait3A, %dma_wait3A_66, %dma_wait3A_67] : memref<4x200x128xf32, #tpu.memory_space<vmem>> -> memref<1x200x128xf32, #tpu.memory_space<vmem>>
      %dma_wait3A_69 = tpu.memref_squeeze %dma_wait3A_68 : memref<1x200x128xf32, #tpu.memory_space<vmem>> -> memref<200x128xf32, #tpu.memory_space<vmem>>
      %dma_wait3A_70 = tpu.memref_slice %arg5[%mul3A_14] : memref<9600xi32, #tpu.memory_space<vmem>> -> memref<200xi32, #tpu.memory_space<vmem>>
      %dma_wait3A_71 = arith.constant 0 : i32
      %dma_wait3A_72 = arith.constant 0 : i32
      %dma_wait3A_73 = tpu.memref_slice %arg3[%dma_wait3A_71, %dma_wait3A_72] : memref<151646x128xf32, #tpu.memory_space<hbm>> -> memref<151646x128xf32, #tpu.memory_space<hbm>>
      tpu.wait_indirect_dma semaphore(%arg7 : memref<!tpu.dma_semaphore, #tpu.memory_space<semaphore_mem>>) src(%dma_wait3A_73 : memref<151646x128xf32, #tpu.memory_space<hbm>>) dst(%dma_wait3A_69 : memref<200x128xf32, #tpu.memory_space<vmem>>)
      %add3A_74 = arith.addi %mul3A_2, %mul3A_65 : i32
      %run_scoped3A = arith.constant 0 : i32
      "tpu.region"() ({
        %run_scoped3A_120 = tpu.sem_alloc : memref<!tpu.dma_semaphore, #tpu.memory_space<semaphore_mem>>
        %dma_start3A_121 = arith.constant 0 : i32
        %dma_start3A_122 = arith.constant 0 : i32
        %dma_start3A_123 = tpu.memref_slice %arg6[%run_scoped3A, %dma_start3A_121, %dma_start3A_122] : memref<4x200x128xf32, #tpu.memory_space<vmem>> -> memref<1x200x128xf32, #tpu.memory_space<vmem>>
        %dma_start3A_124 = tpu.memref_squeeze %dma_start3A_123 : memref<1x200x128xf32, #tpu.memory_space<vmem>> -> memref<200x128xf32, #tpu.memory_space<vmem>>
        %dma_start3A_125 = arith.constant 0 : i32
        %dma_start3A_126 = tpu.memref_slice %arg4[%add3A_74, %dma_start3A_125] : memref<307200x128xf32, #tpu.memory_space<hbm>> -> memref<200x128xf32, #tpu.memory_space<hbm>>
        %dma_start3A_127 = arith.constant 0 : i32
        %dma_start3A_128 = tpu.memref_slice %arg4[%add3A_74, %dma_start3A_127] : memref<307200x128xf32, #tpu.memory_space<hbm>> -> memref<200x128xf32, #tpu.memory_space<hbm>>
        %dma_start3A_129 = arith.constant 0 : i32
        %dma_start3A_130 = arith.constant 0 : i32
        %dma_start3A_131 = tpu.memref_slice %arg6[%run_scoped3A, %dma_start3A_129, %dma_start3A_130] : memref<4x200x128xf32, #tpu.memory_space<vmem>> -> memref<1x200x128xf32, #tpu.memory_space<vmem>>
        %dma_start3A_132 = tpu.memref_squeeze %dma_start3A_131 : memref<1x200x128xf32, #tpu.memory_space<vmem>> -> memref<200x128xf32, #tpu.memory_space<vmem>>
        tpu.enqueue_dma source(%dma_start3A_132 : memref<200x128xf32, #tpu.memory_space<vmem>>) target(%dma_start3A_128 : memref<200x128xf32, #tpu.memory_space<hbm>>) target_semaphore(%run_scoped3A_120 : memref<!tpu.dma_semaphore, #tpu.memory_space<semaphore_mem>>)
        %dma_wait3A_133 = arith.constant 0 : i32
        %dma_wait3A_134 = arith.constant 0 : i32
        %dma_wait3A_135 = tpu.memref_slice %arg6[%run_scoped3A, %dma_wait3A_133, %dma_wait3A_134] : memref<4x200x128xf32, #tpu.memory_space<vmem>> -> memref<1x200x128xf32, #tpu.memory_space<vmem>>
        %dma_wait3A_136 = tpu.memref_squeeze %dma_wait3A_135 : memref<1x200x128xf32, #tpu.memory_space<vmem>> -> memref<200x128xf32, #tpu.memory_space<vmem>>
        %dma_wait3A_137 = arith.constant 0 : i32
        %dma_wait3A_138 = tpu.memref_slice %arg4[%add3A_74, %dma_wait3A_137] : memref<307200x128xf32, #tpu.memory_space<hbm>> -> memref<200x128xf32, #tpu.memory_space<hbm>>
        %dma_wait3A_139 = arith.constant 0 : i32
        %dma_wait3A_140 = tpu.memref_slice %arg4[%add3A_74, %dma_wait3A_139] : memref<307200x128xf32, #tpu.memory_space<hbm>> -> memref<200x128xf32, #tpu.memory_space<hbm>>
        %dma_wait3A_141 = arith.constant 0 : i32
        %dma_wait3A_142 = arith.constant 0 : i32
        %dma_wait3A_143 = tpu.memref_slice %arg6[%run_scoped3A, %dma_wait3A_141, %dma_wait3A_142] : memref<4x200x128xf32, #tpu.memory_space<vmem>> -> memref<1x200x128xf32, #tpu.memory_space<vmem>>
        %dma_wait3A_144 = tpu.memref_squeeze %dma_wait3A_143 : memref<1x200x128xf32, #tpu.memory_space<vmem>> -> memref<200x128xf32, #tpu.memory_space<vmem>>
        tpu.wait_dma2 semaphore(%run_scoped3A_120 : memref<!tpu.dma_semaphore, #tpu.memory_space<semaphore_mem>>) src(%dma_wait3A_144 : memref<200x128xf32, #tpu.memory_space<vmem>>) dst(%dma_wait3A_140 : memref<200x128xf32, #tpu.memory_space<hbm>>)
        tpu.yield
      }) : () -> ()
      %add3A_75 = arith.constant 1 : i32
      %add3A_76 = arith.addi %mul3A_10, %add3A_75 : i32
      %mul3A_77 = arith.constant 200 : i32
      %mul3A_78 = arith.muli %add3A_76, %mul3A_77 : i32
      %dma_wait3A_79 = arith.constant 1 : i32
      %dma_wait3A_80 = arith.constant 0 : i32
      %dma_wait3A_81 = arith.constant 0 : i32
      %dma_wait3A_82 = tpu.memref_slice %arg6[%dma_wait3A_79, %dma_wait3A_80, %dma_wait3A_81] : memref<4x200x128xf32, #tpu.memory_space<vmem>> -> memref<1x200x128xf32, #tpu.memory_space<vmem>>
      %dma_wait3A_83 = tpu.memref_squeeze %dma_wait3A_82 : memref<1x200x128xf32, #tpu.memory_space<vmem>> -> memref<200x128xf32, #tpu.memory_space<vmem>>
      %dma_wait3A_84 = tpu.memref_slice %arg5[%mul3A_26] : memref<9600xi32, #tpu.memory_space<vmem>> -> memref<200xi32, #tpu.memory_space<vmem>>
      %dma_wait3A_85 = arith.constant 0 : i32
      %dma_wait3A_86 = arith.constant 0 : i32
      %dma_wait3A_87 = tpu.memref_slice %arg3[%dma_wait3A_85, %dma_wait3A_86] : memref<151646x128xf32, #tpu.memory_space<hbm>> -> memref<151646x128xf32, #tpu.memory_space<hbm>>
      tpu.wait_indirect_dma semaphore(%arg8 : memref<!tpu.dma_semaphore, #tpu.memory_space<semaphore_mem>>) src(%dma_wait3A_87 : memref<151646x128xf32, #tpu.memory_space<hbm>>) dst(%dma_wait3A_83 : memref<200x128xf32, #tpu.memory_space<vmem>>)
      %add3A_88 = arith.addi %mul3A_2, %mul3A_78 : i32
      %run_scoped3A_89 = arith.constant 1 : i32
      "tpu.region"() ({
        %run_scoped3A_120 = tpu.sem_alloc : memref<!tpu.dma_semaphore, #tpu.memory_space<semaphore_mem>>
        %dma_start3A_121 = arith.constant 0 : i32
        %dma_start3A_122 = arith.constant 0 : i32
        %dma_start3A_123 = tpu.memref_slice %arg6[%run_scoped3A_89, %dma_start3A_121, %dma_start3A_122] : memref<4x200x128xf32, #tpu.memory_space<vmem>> -> memref<1x200x128xf32, #tpu.memory_space<vmem>>
        %dma_start3A_124 = tpu.memref_squeeze %dma_start3A_123 : memref<1x200x128xf32, #tpu.memory_space<vmem>> -> memref<200x128xf32, #tpu.memory_space<vmem>>
        %dma_start3A_125 = arith.constant 0 : i32
        %dma_start3A_126 = tpu.memref_slice %arg4[%add3A_88, %dma_start3A_125] : memref<307200x128xf32, #tpu.memory_space<hbm>> -> memref<200x128xf32, #tpu.memory_space<hbm>>
        %dma_start3A_127 = arith.constant 0 : i32
        %dma_start3A_128 = tpu.memref_slice %arg4[%add3A_88, %dma_start3A_127] : memref<307200x128xf32, #tpu.memory_space<hbm>> -> memref<200x128xf32, #tpu.memory_space<hbm>>
        %dma_start3A_129 = arith.constant 0 : i32
        %dma_start3A_130 = arith.constant 0 : i32
        %dma_start3A_131 = tpu.memref_slice %arg6[%run_scoped3A_89, %dma_start3A_129, %dma_start3A_130] : memref<4x200x128xf32, #tpu.memory_space<vmem>> -> memref<1x200x128xf32, #tpu.memory_space<vmem>>
        %dma_start3A_132 = tpu.memref_squeeze %dma_start3A_131 : memref<1x200x128xf32, #tpu.memory_space<vmem>> -> memref<200x128xf32, #tpu.memory_space<vmem>>
        tpu.enqueue_dma source(%dma_start3A_132 : memref<200x128xf32, #tpu.memory_space<vmem>>) target(%dma_start3A_128 : memref<200x128xf32, #tpu.memory_space<hbm>>) target_semaphore(%run_scoped3A_120 : memref<!tpu.dma_semaphore, #tpu.memory_space<semaphore_mem>>)
        %dma_wait3A_133 = arith.constant 0 : i32
        %dma_wait3A_134 = arith.constant 0 : i32
        %dma_wait3A_135 = tpu.memref_slice %arg6[%run_scoped3A_89, %dma_wait3A_133, %dma_wait3A_134] : memref<4x200x128xf32, #tpu.memory_space<vmem>> -> memref<1x200x128xf32, #tpu.memory_space<vmem>>
        %dma_wait3A_136 = tpu.memref_squeeze %dma_wait3A_135 : memref<1x200x128xf32, #tpu.memory_space<vmem>> -> memref<200x128xf32, #tpu.memory_space<vmem>>
        %dma_wait3A_137 = arith.constant 0 : i32
        %dma_wait3A_138 = tpu.memref_slice %arg4[%add3A_88, %dma_wait3A_137] : memref<307200x128xf32, #tpu.memory_space<hbm>> -> memref<200x128xf32, #tpu.memory_space<hbm>>
        %dma_wait3A_139 = arith.constant 0 : i32
        %dma_wait3A_140 = tpu.memref_slice %arg4[%add3A_88, %dma_wait3A_139] : memref<307200x128xf32, #tpu.memory_space<hbm>> -> memref<200x128xf32, #tpu.memory_space<hbm>>
        %dma_wait3A_141 = arith.constant 0 : i32
        %dma_wait3A_142 = arith.constant 0 : i32
        %dma_wait3A_143 = tpu.memref_slice %arg6[%run_scoped3A_89, %dma_wait3A_141, %dma_wait3A_142] : memref<4x200x128xf32, #tpu.memory_space<vmem>> -> memref<1x200x128xf32, #tpu.memory_space<vmem>>
        %dma_wait3A_144 = tpu.memref_squeeze %dma_wait3A_143 : memref<1x200x128xf32, #tpu.memory_space<vmem>> -> memref<200x128xf32, #tpu.memory_space<vmem>>
        tpu.wait_dma2 semaphore(%run_scoped3A_120 : memref<!tpu.dma_semaphore, #tpu.memory_space<semaphore_mem>>) src(%dma_wait3A_144 : memref<200x128xf32, #tpu.memory_space<vmem>>) dst(%dma_wait3A_140 : memref<200x128xf32, #tpu.memory_space<hbm>>)
        tpu.yield
      }) : () -> ()
      %add3A_90 = arith.constant 2 : i32
      %add3A_91 = arith.addi %mul3A_10, %add3A_90 : i32
      %mul3A_92 = arith.constant 200 : i32
      %mul3A_93 = arith.muli %add3A_91, %mul3A_92 : i32
      %dma_wait3A_94 = arith.constant 2 : i32
      %dma_wait3A_95 = arith.constant 0 : i32
      %dma_wait3A_96 = arith.constant 0 : i32
      %dma_wait3A_97 = tpu.memref_slice %arg6[%dma_wait3A_94, %dma_wait3A_95, %dma_wait3A_96] : memref<4x200x128xf32, #tpu.memory_space<vmem>> -> memref<1x200x128xf32, #tpu.memory_space<vmem>>
      %dma_wait3A_98 = tpu.memref_squeeze %dma_wait3A_97 : memref<1x200x128xf32, #tpu.memory_space<vmem>> -> memref<200x128xf32, #tpu.memory_space<vmem>>
      %dma_wait3A_99 = tpu.memref_slice %arg5[%mul3A_39] : memref<9600xi32, #tpu.memory_space<vmem>> -> memref<200xi32, #tpu.memory_space<vmem>>
      %dma_wait3A_100 = arith.constant 0 : i32
      %dma_wait3A_101 = arith.constant 0 : i32
      %dma_wait3A_102 = tpu.memref_slice %arg3[%dma_wait3A_100, %dma_wait3A_101] : memref<151646x128xf32, #tpu.memory_space<hbm>> -> memref<151646x128xf32, #tpu.memory_space<hbm>>
      tpu.wait_indirect_dma semaphore(%arg9 : memref<!tpu.dma_semaphore, #tpu.memory_space<semaphore_mem>>) src(%dma_wait3A_102 : memref<151646x128xf32, #tpu.memory_space<hbm>>) dst(%dma_wait3A_98 : memref<200x128xf32, #tpu.memory_space<vmem>>)
      %add3A_103 = arith.addi %mul3A_2, %mul3A_93 : i32
      %run_scoped3A_104 = arith.constant 2 : i32
      "tpu.region"() ({
        %run_scoped3A_120 = tpu.sem_alloc : memref<!tpu.dma_semaphore, #tpu.memory_space<semaphore_mem>>
        %dma_start3A_121 = arith.constant 0 : i32
        %dma_start3A_122 = arith.constant 0 : i32
        %dma_start3A_123 = tpu.memref_slice %arg6[%run_scoped3A_104, %dma_start3A_121, %dma_start3A_122] : memref<4x200x128xf32, #tpu.memory_space<vmem>> -> memref<1x200x128xf32, #tpu.memory_space<vmem>>
        %dma_start3A_124 = tpu.memref_squeeze %dma_start3A_123 : memref<1x200x128xf32, #tpu.memory_space<vmem>> -> memref<200x128xf32, #tpu.memory_space<vmem>>
        %dma_start3A_125 = arith.constant 0 : i32
        %dma_start3A_126 = tpu.memref_slice %arg4[%add3A_103, %dma_start3A_125] : memref<307200x128xf32, #tpu.memory_space<hbm>> -> memref<200x128xf32, #tpu.memory_space<hbm>>
        %dma_start3A_127 = arith.constant 0 : i32
        %dma_start3A_128 = tpu.memref_slice %arg4[%add3A_103, %dma_start3A_127] : memref<307200x128xf32, #tpu.memory_space<hbm>> -> memref<200x128xf32, #tpu.memory_space<hbm>>
        %dma_start3A_129 = arith.constant 0 : i32
        %dma_start3A_130 = arith.constant 0 : i32
        %dma_start3A_131 = tpu.memref_slice %arg6[%run_scoped3A_104, %dma_start3A_129, %dma_start3A_130] : memref<4x200x128xf32, #tpu.memory_space<vmem>> -> memref<1x200x128xf32, #tpu.memory_space<vmem>>
        %dma_start3A_132 = tpu.memref_squeeze %dma_start3A_131 : memref<1x200x128xf32, #tpu.memory_space<vmem>> -> memref<200x128xf32, #tpu.memory_space<vmem>>
        tpu.enqueue_dma source(%dma_start3A_132 : memref<200x128xf32, #tpu.memory_space<vmem>>) target(%dma_start3A_128 : memref<200x128xf32, #tpu.memory_space<hbm>>) target_semaphore(%run_scoped3A_120 : memref<!tpu.dma_semaphore, #tpu.memory_space<semaphore_mem>>)
        %dma_wait3A_133 = arith.constant 0 : i32
        %dma_wait3A_134 = arith.constant 0 : i32
        %dma_wait3A_135 = tpu.memref_slice %arg6[%run_scoped3A_104, %dma_wait3A_133, %dma_wait3A_134] : memref<4x200x128xf32, #tpu.memory_space<vmem>> -> memref<1x200x128xf32, #tpu.memory_space<vmem>>
        %dma_wait3A_136 = tpu.memref_squeeze %dma_wait3A_135 : memref<1x200x128xf32, #tpu.memory_space<vmem>> -> memref<200x128xf32, #tpu.memory_space<vmem>>
        %dma_wait3A_137 = arith.constant 0 : i32
        %dma_wait3A_138 = tpu.memref_slice %arg4[%add3A_103, %dma_wait3A_137] : memref<307200x128xf32, #tpu.memory_space<hbm>> -> memref<200x128xf32, #tpu.memory_space<hbm>>
        %dma_wait3A_139 = arith.constant 0 : i32
        %dma_wait3A_140 = tpu.memref_slice %arg4[%add3A_103, %dma_wait3A_139] : memref<307200x128xf32, #tpu.memory_space<hbm>> -> memref<200x128xf32, #tpu.memory_space<hbm>>
        %dma_wait3A_141 = arith.constant 0 : i32
        %dma_wait3A_142 = arith.constant 0 : i32
        %dma_wait3A_143 = tpu.memref_slice %arg6[%run_scoped3A_104, %dma_wait3A_141, %dma_wait3A_142] : memref<4x200x128xf32, #tpu.memory_space<vmem>> -> memref<1x200x128xf32, #tpu.memory_space<vmem>>
        %dma_wait3A_144 = tpu.memref_squeeze %dma_wait3A_143 : memref<1x200x128xf32, #tpu.memory_space<vmem>> -> memref<200x128xf32, #tpu.memory_space<vmem>>
        tpu.wait_dma2 semaphore(%run_scoped3A_120 : memref<!tpu.dma_semaphore, #tpu.memory_space<semaphore_mem>>) src(%dma_wait3A_144 : memref<200x128xf32, #tpu.memory_space<vmem>>) dst(%dma_wait3A_140 : memref<200x128xf32, #tpu.memory_space<hbm>>)
        tpu.yield
      }) : () -> ()
      %add3A_105 = arith.constant 3 : i32
      %add3A_106 = arith.addi %mul3A_10, %add3A_105 : i32
      %mul3A_107 = arith.constant 200 : i32
      %mul3A_108 = arith.muli %add3A_106, %mul3A_107 : i32
      %dma_wait3A_109 = arith.constant 3 : i32
      %dma_wait3A_110 = arith.constant 0 : i32
      %dma_wait3A_111 = arith.constant 0 : i32
      %dma_wait3A_112 = tpu.memref_slice %arg6[%dma_wait3A_109, %dma_wait3A_110, %dma_wait3A_111] : memref<4x200x128xf32, #tpu.memory_space<vmem>> -> memref<1x200x128xf32, #tpu.memory_space<vmem>>
      %dma_wait3A_113 = tpu.memref_squeeze %dma_wait3A_112 : memref<1x200x128xf32, #tpu.memory_space<vmem>> -> memref<200x128xf32, #tpu.memory_space<vmem>>
      %dma_wait3A_114 = tpu.memref_slice %arg5[%mul3A_52] : memref<9600xi32, #tpu.memory_space<vmem>> -> memref<200xi32, #tpu.memory_space<vmem>>
      %dma_wait3A_115 = arith.constant 0 : i32
      %dma_wait3A_116 = arith.constant 0 : i32
      %dma_wait3A_117 = tpu.memref_slice %arg3[%dma_wait3A_115, %dma_wait3A_116] : memref<151646x128xf32, #tpu.memory_space<hbm>> -> memref<151646x128xf32, #tpu.memory_space<hbm>>
      tpu.wait_indirect_dma semaphore(%arg10 : memref<!tpu.dma_semaphore, #tpu.memory_space<semaphore_mem>>) src(%dma_wait3A_117 : memref<151646x128xf32, #tpu.memory_space<hbm>>) dst(%dma_wait3A_113 : memref<200x128xf32, #tpu.memory_space<vmem>>)
      %add3A_118 = arith.addi %mul3A_2, %mul3A_108 : i32
      %run_scoped3A_119 = arith.constant 3 : i32
      "tpu.region"() ({
        %run_scoped3A_120 = tpu.sem_alloc : memref<!tpu.dma_semaphore, #tpu.memory_space<semaphore_mem>>
        %dma_start3A_121 = arith.constant 0 : i32
        %dma_start3A_122 = arith.constant 0 : i32
        %dma_start3A_123 = tpu.memref_slice %arg6[%run_scoped3A_119, %dma_start3A_121, %dma_start3A_122] : memref<4x200x128xf32, #tpu.memory_space<vmem>> -> memref<1x200x128xf32, #tpu.memory_space<vmem>>
        %dma_start3A_124 = tpu.memref_squeeze %dma_start3A_123 : memref<1x200x128xf32, #tpu.memory_space<vmem>> -> memref<200x128xf32, #tpu.memory_space<vmem>>
        %dma_start3A_125 = arith.constant 0 : i32
        %dma_start3A_126 = tpu.memref_slice %arg4[%add3A_118, %dma_start3A_125] : memref<307200x128xf32, #tpu.memory_space<hbm>> -> memref<200x128xf32, #tpu.memory_space<hbm>>
        %dma_start3A_127 = arith.constant 0 : i32
        %dma_start3A_128 = tpu.memref_slice %arg4[%add3A_118, %dma_start3A_127] : memref<307200x128xf32, #tpu.memory_space<hbm>> -> memref<200x128xf32, #tpu.memory_space<hbm>>
        %dma_start3A_129 = arith.constant 0 : i32
        %dma_start3A_130 = arith.constant 0 : i32
        %dma_start3A_131 = tpu.memref_slice %arg6[%run_scoped3A_119, %dma_start3A_129, %dma_start3A_130] : memref<4x200x128xf32, #tpu.memory_space<vmem>> -> memref<1x200x128xf32, #tpu.memory_space<vmem>>
        %dma_start3A_132 = tpu.memref_squeeze %dma_start3A_131 : memref<1x200x128xf32, #tpu.memory_space<vmem>> -> memref<200x128xf32, #tpu.memory_space<vmem>>
        tpu.enqueue_dma source(%dma_start3A_132 : memref<200x128xf32, #tpu.memory_space<vmem>>) target(%dma_start3A_128 : memref<200x128xf32, #tpu.memory_space<hbm>>) target_semaphore(%run_scoped3A_120 : memref<!tpu.dma_semaphore, #tpu.memory_space<semaphore_mem>>)
        %dma_wait3A_133 = arith.constant 0 : i32
        %dma_wait3A_134 = arith.constant 0 : i32
        %dma_wait3A_135 = tpu.memref_slice %arg6[%run_scoped3A_119, %dma_wait3A_133, %dma_wait3A_134] : memref<4x200x128xf32, #tpu.memory_space<vmem>> -> memref<1x200x128xf32, #tpu.memory_space<vmem>>
        %dma_wait3A_136 = tpu.memref_squeeze %dma_wait3A_135 : memref<1x200x128xf32, #tpu.memory_space<vmem>> -> memref<200x128xf32, #tpu.memory_space<vmem>>
        %dma_wait3A_137 = arith.constant 0 : i32
        %dma_wait3A_138 = tpu.memref_slice %arg4[%add3A_118, %dma_wait3A_137] : memref<307200x128xf32, #tpu.memory_space<hbm>> -> memref<200x128xf32, #tpu.memory_space<hbm>>
        %dma_wait3A_139 = arith.constant 0 : i32
        %dma_wait3A_140 = tpu.memref_slice %arg4[%add3A_118, %dma_wait3A_139] : memref<307200x128xf32, #tpu.memory_space<hbm>> -> memref<200x128xf32, #tpu.memory_space<hbm>>
        %dma_wait3A_141 = arith.constant 0 : i32
        %dma_wait3A_142 = arith.constant 0 : i32
        %dma_wait3A_143 = tpu.memref_slice %arg6[%run_scoped3A_119, %dma_wait3A_141, %dma_wait3A_142] : memref<4x200x128xf32, #tpu.memory_space<vmem>> -> memref<1x200x128xf32, #tpu.memory_space<vmem>>
        %dma_wait3A_144 = tpu.memref_squeeze %dma_wait3A_143 : memref<1x200x128xf32, #tpu.memory_space<vmem>> -> memref<200x128xf32, #tpu.memory_space<vmem>>
        tpu.wait_dma2 semaphore(%run_scoped3A_120 : memref<!tpu.dma_semaphore, #tpu.memory_space<semaphore_mem>>) src(%dma_wait3A_144 : memref<200x128xf32, #tpu.memory_space<vmem>>) dst(%dma_wait3A_140 : memref<200x128xf32, #tpu.memory_space<hbm>>)
        tpu.yield
      }) : () -> ()
    }
    %scan3A_7 = arith.constant 12 : i32
    return
  }
}

</mosaic_0001>

<sc_bundles>
// kernel: kernel.3.cloned.1.call-start
scs
__scs_entry_jumppad:
0x0: {  	(pc) =	sbr.rel $0x88, $3  }
0x1: {  	(tag) =	ssettag $0x0;
	lr =	simm.s32 $0x1  }
0x2: {  	[smem:$0x3F9E] =	sst lr;
	_ =	strace $0xD0000000  }
0x3: {  	_ = 	snop  }
0x4: {  	_ = 	snop  }
0x5: {  	_ = 	snop  }
0x6: {  	_ = 	snop  }
0x7: {  	_ = 	snop  }
__scs_overlays_trampoline_lowered:
0x8: {  	[smem:$0x3FAD] =	sst s0  }
0x9: {  	[smem:$0x3FAE] =	sst s1  }
0xa: {  	[smem:$0x3FAF] =	sst s2  }
0xb: {  	[smem:$0x3FB0] =	sst s3  }
0xc: {  	[smem:$0x3FB1] =	sst s4  }
0xd: {  	[smem:$0x3FB2] =	sst s5  }
0xe: {  	[smem:$0x3FB3] =	sst s6  }
0xf: {  	[smem:$0x3FB4] =	sst s7  }
0x10: {  	[smem:$0x3FB5] =	sst s8  }
0x11: {  	[smem:$0x3FB6] =	sst s9;
	s0 =	simm.s32 @!p0 $0x0  }
0x12: {  	s1 =	sld [smem:$0x3F9C];
	s0 =	simm.s32 @p0 $0x1  }
0x13: {  	[smem:$0x3FB7] =	sst s0;
	s0 =	simm.s32 @!p1 $0x0  }
0x14: {  	s2 =	sld [smem:$0x3F9B];
	s0 =	simm.s32 @p1 $0x1  }
0x15: {  	[smem:$0x3FB8] =	sst s0;
	s0 =	simm.s32 @!p2 $0x0  }
0x16: {  	s3 =	sld [smem:$0x3FDB];
	s0 =	simm.s32 @p2 $0x1  }
0x17: {  	s4 =	simm.s32 $0x1BF5;
	[smem:$0x3FBA] =	sst s0  }
0x18: {  	s0 =	sld [smem:$0x3F9D];
	_ =	swait.ge [sflag:s4], $0x0  }
0x19: {  	s7 =	sld [smem:$0x3F9E]  }
0x1a: {  	s8 =	sadd.s32 $0xFFFFE003, lr  }
0x1b: {  	s9 =	sadd.s32 $0xFFFFFEF7, lr;
	s5 =	simm.s32 $0xFFFFFFFF;
	p2 =	slt.u32 s8, $0xFFFFF086  }
0x1c: {  	p1 =	slt.u32 s9, $0xF7A;
	s5 =	simm.s32 @!p2 $0x0  }
0x1d: {  	s5 =	simm.s32 @p1 $0x1;
	p0 =	seq.s32 s7, s2  }
0x1e: {  	s7 =	smul.u32 @!p0 $0xF7A, s2;
	p2 =	seq.s32 @!p0 s5, $0x0  }
0x1f: {  	s9 =	smul.u32 $0xF7A, s1;
	s8 =	simm.s32 @!p0 $0x1BF5;
	p2 =	por !p2, p0  }
0x20: {  	[sflag:s8] =	ssyncset.s32 @!p0 $0xFFFFF086;
	s6 =	sadd.s32 @!p0 s3, s7;
	s7 =	simm.s32 @!p0 $0x108  }
0x21: {  	s3 =	sadd.s32 s3, s9;
	s6 =	sadd.s32 @!p0 $0x88, s6;
	s7 =	simm.s32 @p2 $0x1082  }
0x22: {  	[simem:s7], [sflag:s8] =	dma.local @!p0 [hbm:s6], $0xF7A  }
0x23: {  	s9 =	sor.u32 $0xD0000000, s2;
	s6 =	simm.s32 $0x108;
	_ =	swait.ge @!p0 [sflag:s8], $0x0  }
0x24: {  	s3 =	sadd.s32 $0x88, s3;
	s6 =	simm.s32 @!p1 $0x1082;
	[sflag:s4] =	ssyncset.s32 $0xFFFFF086  }
0x25: {  	[simem:s6], [sflag:s4] =	dma.local [hbm:s3], $0xF7A  }
0x26: {  	[smem:$0x3F9E] =	sst s1;
	(tag) =	ssettag s2;
	_ =	strace s9  }
0x27: {  	s1 =	sld [smem:$0x3FAE]  }
0x28: {  	s2 =	sld [smem:$0x3FAF]  }
0x29: {  	s4 =	sld [smem:$0x3FB1]  }
0x2a: {  	p0 =	seq.s32 s5, $0x0;
	s5 =	sld [smem:$0x3FB2]  }
0x2b: {  	s6 =	sld [smem:$0x3FB3]  }
0x2c: {  	s7 =	sld [smem:$0x3FB4]  }
0x2d: {  	s3 =	simm.s32 $0x108;
	s8 =	sld [smem:$0x3FB5]  }
0x2e: {  	s3 =	simm.s32 @!p0 $0x1082;
	s9 =	sld [smem:$0x3FB6]  }
0x2f: {  	lr =	sadd.s32 s0, s3;
	s0 =	sld [smem:$0x3FAD]  }
0x30: {  	s3 =	sld [smem:$0x3FB0]  }
0x31: {  	[smem:$0x3FB9] =	sst s10  }
0x32: {  	s10 =	sld [smem:$0x3FB7];
	_ =	sdelay $0x3  }
0x33: {  	p0 =	seq.s32 s10, $0x1;
	s10 =	sld [smem:$0x3FB9];
	_ =	sdelay $0x3  }
0x34: {  	[smem:$0x3FB9] =	sst s10  }
0x35: {  	s10 =	sld [smem:$0x3FB8];
	_ =	sdelay $0x3  }
0x36: {  	p1 =	seq.s32 s10, $0x1;
	s10 =	sld [smem:$0x3FB9];
	_ =	sdelay $0x3  }
0x37: {  	[smem:$0x3FB9] =	sst s10  }
0x38: {  	s10 =	sld [smem:$0x3FBA]  }
0x39: {  	_ = 	snop;
	(pc) =	sbr.ind lr, $3  }
0x3a: {  	_ = 	snop  }
0x3b: {  	_ = 	snop  }
0x3c: {  	p2 =	seq.s32 s10, $0x1;
	s10 =	sld [smem:$0x3FB9]  }
0x3d: {  	_ =	shalt  }
0x3e: {  	_ =	shalt  }
0x3f: {  	_ =	shalt  }
0x40: {  	_ =	shalt  }
0x41: {  	_ =	shalt  }
0x42: {  	_ =	shalt  }
0x43: {  	_ =	shalt  }
0x44: {  	_ =	shalt  }
0x45: {  	_ =	shalt  }
0x46: {  	_ =	shalt  }
0x47: {  	_ =	shalt  }
0x48: {  	_ =	shalt  }
0x49: {  	_ =	shalt  }
0x4a: {  	_ =	shalt  }
0x4b: {  	_ =	shalt  }
0x4c: {  	_ =	shalt  }
0x4d: {  	_ =	shalt  }
0x4e: {  	_ =	shalt  }
0x4f: {  	_ =	shalt  }
0x50: {  	_ =	shalt  }
0x51: {  	_ =	shalt  }
0x52: {  	_ =	shalt  }
0x53: {  	_ =	shalt  }
0x54: {  	_ =	shalt  }
0x55: {  	_ =	shalt  }
0x56: {  	_ =	shalt  }
0x57: {  	_ =	shalt  }
0x58: {  	_ =	shalt  }
0x59: {  	_ =	shalt  }
0x5a: {  	_ =	shalt  }
0x5b: {  	_ =	shalt  }
0x5c: {  	_ =	shalt  }
0x5d: {  	_ =	shalt  }
0x5e: {  	_ =	shalt  }
0x5f: {  	_ =	shalt  }
0x60: {  	_ =	shalt  }
0x61: {  	_ =	shalt  }
0x62: {  	_ =	shalt  }
0x63: {  	_ =	shalt  }
0x64: {  	_ =	shalt  }
0x65: {  	_ =	shalt  }
0x66: {  	_ =	shalt  }
0x67: {  	_ =	shalt  }
0x68: {  	_ =	shalt  }
0x69: {  	_ =	shalt  }
0x6a: {  	_ =	shalt  }
0x6b: {  	_ =	shalt  }
0x6c: {  	_ =	shalt  }
0x6d: {  	_ =	shalt  }
0x6e: {  	_ =	shalt  }
0x6f: {  	_ =	shalt  }
0x70: {  	_ =	shalt  }
0x71: {  	_ =	shalt  }
0x72: {  	_ =	shalt  }
0x73: {  	_ =	shalt  }
0x74: {  	_ =	shalt  }
0x75: {  	_ =	shalt  }
0x76: {  	_ =	shalt  }
0x77: {  	_ =	shalt  }
0x78: {  	_ =	shalt  }
0x79: {  	_ =	shalt  }
0x7a: {  	_ =	shalt  }
0x7b: {  	_ =	shalt  }
0x7c: {  	_ =	shalt  }
0x7d: {  	_ =	shalt  }
0x7e: {  	_ =	shalt  }
0x7f: {  	_ =	shalt  }
0x80: {  	_ =	shalt  }
0x81: {  	_ =	shalt  }
0x82: {  	_ =	shalt  }
0x83: {  	_ =	shalt  }
0x84: {  	_ =	shalt  }
0x85: {  	_ =	shalt  }
0x86: {  	_ =	shalt  }
0x87: {  	_ =	shalt  }
.Lfunc_end0:
.L_simem_size_0:
called_computation.1_lowered:
.L_overlay_start_0:
0x88: {  	s2 =	sld [smem:$0x3FD9]  }
0x89: {  	s3 =	sld [smem:$0x3FFE];
	_ =	sdelay $0x1  }
0x8a: {  	s1 =	srdreg.scid  }
0x8b: {  	s0 =	sand.u32 $0x1, s1  }
0x8c: {  	s15 =	sshll.u32 s0, $0xA;
	s2 =	sadd.s32 s3, s2  }
0x8d: {  	s2 =	sadd.s32 s2, s15  }
0x8e: {  	[smem:$0x3FC5] =	sst s2  }
0x8f: {  	_ = 	snop  }
0x90: {  	s2 =	sld [smem:$0x3FD0];
	_ =	sdelay $0x2  }
0x91: {  	s4 =	simm.s32 $0xA;
	s5 =	simm.s32 $0x10;
	s16 =	sld [smem:$0x3FC7]  }
0x92: {  	[smem:s5], [sflag:s4] =	dma.local [hbm:s2], $0x1  }
0x93: {  	_ =	swait.eq [sflag:s4], $0x1  }
0x94: {  	[sflag:s4] =	ssyncset.done $0x0  }
0x95: {  	s17 =	sld [smem:$0x10];
	[sflag:s4] =	ssyncadd.s32 $0xFFFFFFFF  }
0x96: {  	s18 =	sld [smem:$0x12];
	(tm) =	ssettm $0x1  }
0x97: {  	s19 =	sld [smem:$0x3FFB];
	_ =	sdelay $0x3  }
0x98: {  	_ =	strace s19  }
0x99: {  	s5 =	sld [smem:$0x3FFC];
	_ =	sdelay $0x3  }
0x9a: {  	_ =	strace s5  }
0x9b: {  	s5 =	sld [smem:$0x3FFD];
	_ =	sdelay $0x3  }
0x9c: {  	_ =	strace s5  }
0x9d: {  	_ =	strace $0x8FFFFFFF  }
0x9e: {  	s20 =	sld [smem:$0x3FDB];
	_ =	sdelay $0x1  }
0x9f: {  	s6 =	simm.s32 $_scs_section_size  }
0xa0: {  	s7 =	simm.s32 $_size__tile_overlayer_lowered;
	s8 =	simm.s32 $_tile_overlayer_lowered  }
0xa1: {  	s23 =	simm.s32 $0x1BFF;
	s22 =	sshll.u32 s8, $0x1;
	s5 =	sadd.s32 s6, s20  }
0xa2: {  	s9 =	simm.s32 $0x0;
	s21 =	sshll.u32 s7, $0x1;
	s7 =	sadd.s32 s22, s5  }
0xa3: {  	[timem:s9], [sflag:s23] =	dma.local [hbm:s7], s21  }
0xa4: {  	_ =	swait.ge [sflag:s23], s21  }
0xa5: {  	s6 =	ssub.s32 $0x0, s21;
	[sflag:s23] =	ssyncset.done $0x0  }
0xa6: {  	[sflag:s23] =	ssyncadd.s32 s6;
	_ =	sdelay $0x1  }
0xa7: {  	s24 =	simm.s32 $0x1B8B  }
0xa8: {  	_ =	swait.ge [sflag:s24], $0x1  }
0xa9: {  	[sflag:s24] =	ssyncset.done $0x0  }
0xaa: {  	s25 =	simm.s32 $0x1B8E;
	[sflag:s24] =	ssyncadd.s32 $0xFFFFFFFF  }
0xab: {  	s26 =	simm.s32 $execute0_lowered;
	[smem:$0x3FD2] =	sst s25  }
0xac: {  	s6 =	sshll.u32 s26, $0x1;
	_ =	strace $0x80000046;
	[dreg:$0x1] =	wrdreg $0xFFFFFFFF  }
0xad: {  	s28 =	simm.s32 $_size_execute0_lowered;
	s5 =	sadd.s32 s5, s6;
	[dreg:$0x0] =	wrdreg $0x0  }
0xae: {  	s6 =	sshll.u32 s28, $0x1;
	[dreg:$0x2] =	wrdreg s5  }
0xaf: {  	[dreg:$0x3] =	wrdreg s6  }
0xb0: {  	[dreg:$0x4] =	wrdreg $0xC0  }
0xb1: {  	_ =	task [dreg:s9], $0x5FFFF  }
0xb2: {  	[dreg:$0x1] =	wrdreg $0xFFFFFFFF  }
0xb3: {  	[dreg:$0x0] =	wrdreg $0x60  }
0xb4: {  	[dreg:$0x2] =	wrdreg s18  }
0xb5: {  	[dreg:$0x3] =	wrdreg s16  }
0xb6: {  	[dreg:$0x4] =	wrdreg s17  }
0xb7: {  	[dreg:$0x5] =	wrdreg $0x9  }
0xb8: {  	_ =	task.clear_ibuf [dreg:s9], $0x6FFFF;
	_ =	strace $0x90000046  }
0xb9: {  	s29 =	simm.s32 $0x9;
	_ =	strace $0x80000048  }
0xba: {  	_ =	swait.ge [sflag:s29], $0x1  }
0xbb: {  	[sflag:s29] =	ssyncadd.s32 $0xFFFFFFFF  }
0xbc: {  	_ =	strace $0x90000048  }
0xbd: {  	_ =	sfence  }
0xbe: {  	s30 =	sld [smem:$0x0];
	_ =	sdelay $0x2  }
0xbf: {  	s31 =	sshll.u32 s1, $0xD;
	s1 =	sshrl.u32 s1, $0x2  }
0xc0: {  	s3 =	sand.u32 $0x4000, s31;
	s1 =	sadd.s32 s1, s30  }
0xc1: {  	s0 =	sor.u32 s3, s0;
	s1 =	sshll.u32 s1, $0x11  }
0xc2: {  	s0 =	sor.u32 s1, s0  }
0xc3: {  	s0 =	sadd.s32 $0x8F2B, s0  }
0xc4: {  	[sflag:s0] =	ssyncadd.remote.s32 $0x1  }
0xc5: {  	_ =	sfence.sel $0xFFFF  }
0xc6: {  	[dreg:$0x0] =	wrdreg $0xFFFFFFFF;
	(pc) =	sbr.abs _section_cstart, $3  }
0xc7: {  	[dreg:$0x1] =	wrdreg $0xFFFFFFFF  }
0xc8: {  	_ =	task.clear_ibuf [dreg:s9], $0x2FFFF;
	_ =	strace $0x9FFFFFFF  }
0xc9: {  	(tm) =	ssettm $0x7FFFFFFF  }
tec
execute0_lowered:
.L_overlay_start_1:
0x0: {  	(tag) =	ssettag $0x1  }
0x1: {  	s4 =	rddreg [dreg:$0x0]  }
0x2: {  	s2 =	rddreg [dreg:$0x1]  }
0x3: {  	s1 =	srdreg.scid;
	s0 =	stileid.u32  }
0x4: {  	s6 =	rddreg [dreg:$0x2];
	s3 =	simm.s32 $0x0;
	s11 =	simm.s32 $0xED80  }
0x5: {  	s12 =	simm.s32 $0x15180;
	s13 =	simm.s32 $0x1;
	s14 =	simm.s32 $0x2  }
0x6: {  	s15 =	simm.s32 $0x3;
	s16 =	simm.s32 $0x4;
	s17 =	simm.s32 $0x0  }
0x7: {  	s5 =	sand.u32 $0x1, s1;
	s7 =	sshll.u32 s0, $0x1;
	s1 =	rddreg [dreg:$0x3]  }
0x8: {  	[smem:$0x7FF] =	sst s3;
	s10 =	smul.u32 $0x4B000, s0;
	s7 =	sor.u32 s5, s7  }
0x9: {  	s8 =	ssub.s32 $0x2, s5;
	_ =	strace $0x80000047;
	s31 =	smul.u32 $0x25800, s5  }
0xa: {  	s7 =	smul.u32 $0x2580, s7;
	s9 =	sshrl.u32 s8, $0x1;
	s6 =	sadd.s32 s10, s6  }
0xb: {  	s10 =	simm.s32 $0x8980;
	s8 =	ssub.s32 s8, s9;
	s6 =	sadd.s32 s31, s6  }
0xc: {  	s9 =	simm.s32 $0x2580;
	s7 =	sshrl.u32 s7, $0x3;
	s5 =	smax.u32 s8, $0x1  }
0xd: {  	s8 =	simm.s32 $0xC8;
	s4 =	sadd.s32 s4, s7;
	s7 =	simm.s32 $0x5  }
.LBB2_1:
0xe: {  	[tilespmem:s3], [sflag:$0x5] =	stream.linear.gather [hbm4b:s4+s3], $0x2580, $0x38;
	[tilespmem:$0x1B580] =	vst v63  }
0xf: {  	_ =	swait.ge [sflag:s7], $0x2580  }
0x10: {  	[sflag:s7] =	ssyncset.done $0x0  }
0x11: {  	s18 =	simm.s32 $0x0;
	[sflag:s7] =	ssyncadd.s32 $0xFFFFDA80  }
0x12: {  	[tilespmem:s9], [sflag:$0x1] =	stream.indirect.gather [hbm4b:s2+s8], $0x80, s18, s8, $0xb8;
	[tilespmem:$0x1B580] =	vst v63  }
0x13: {  	s26 =	simm.s32 $0xC8  }
0x14: {  	[tilespmem:s10], [sflag:$0x2] =	stream.indirect.gather [hbm4b:s2+s8], $0x80, s26, s8, $0xb8;
	[tilespmem:$0x1B580] =	vst v63  }
0x15: {  	s28 =	simm.s32 $0x190  }
0x16: {  	[tilespmem:s11], [sflag:$0x3] =	stream.indirect.gather [hbm4b:s2+s8], $0x80, s28, s8, $0xb8;
	[tilespmem:$0x1B580] =	vst v63  }
0x17: {  	s29 =	simm.s32 $0x258  }
0x18: {  	[tilespmem:s12], [sflag:$0x4] =	stream.indirect.gather [hbm4b:s2+s8], $0x80, s29, s8, $0xb8;
	[tilespmem:$0x1B580] =	vst v63  }
0x19: {  	_ =	swait.ge [sflag:s13], $0x6400  }
0x1a: {  	[sflag:s13] =	ssyncset.done $0x0  }
0x1b: {  	s30 =	sadd.s32 $0x0, s6;
	[sflag:s13] =	ssyncadd.s32 $0xFFFF9C00  }
0x1c: {  	[hbm4b:s30+s3] =	stream.linear.scatter [tilespmem:s9], [sflag:$0x5], $0x6400, $0x38;
	[tilespmem:$0x1B580] =	vst v63  }
0x1d: {  	_ =	swait.ge [sflag:s7], $0x6400  }
0x1e: {  	[sflag:s7] =	ssyncset.done $0x0  }
0x1f: {  	[sflag:s7] =	ssyncadd.s32 $0xFFFF9C00  }
0x20: {  	_ =	swait.ge [sflag:s14], $0x6400  }
0x21: {  	[sflag:s14] =	ssyncset.done $0x0  }
0x22: {  	s19 =	sadd.s32 $0xC80, s30;
	[sflag:s14] =	ssyncadd.s32 $0xFFFF9C00  }
0x23: {  	[hbm4b:s19+s3] =	stream.linear.scatter [tilespmem:s10], [sflag:$0x5], $0x6400, $0x38;
	[tilespmem:$0x1B580] =	vst v63  }
0x24: {  	_ =	swait.ge [sflag:s7], $0x6400  }
0x25: {  	[sflag:s7] =	ssyncset.done $0x0  }
0x26: {  	[sflag:s7] =	ssyncadd.s32 $0xFFFF9C00  }
0x27: {  	_ =	swait.ge [sflag:s15], $0x6400  }
0x28: {  	[sflag:s15] =	ssyncset.done $0x0  }
0x29: {  	s31 =	sadd.s32 $0x1900, s30;
	[sflag:s15] =	ssyncadd.s32 $0xFFFF9C00  }
0x2a: {  	[hbm4b:s31+s3] =	stream.linear.scatter [tilespmem:s11], [sflag:$0x5], $0x6400, $0x38;
	[tilespmem:$0x1B580] =	vst v63  }
0x2b: {  	_ =	swait.ge [sflag:s7], $0x6400  }
0x2c: {  	[sflag:s7] =	ssyncset.done $0x0  }
0x2d: {  	[sflag:s7] =	ssyncadd.s32 $0xFFFF9C00  }
0x2e: {  	_ =	swait.ge [sflag:s16], $0x6400  }
0x2f: {  	[sflag:s16] =	ssyncset.done $0x0  }
0x30: {  	s18 =	sadd.s32 $0x2580, s30;
	[sflag:s16] =	ssyncadd.s32 $0xFFFF9C00  }
0x31: {  	[hbm4b:s18+s3] =	stream.linear.scatter [tilespmem:s12], [sflag:$0x5], $0x6400, $0x38;
	[tilespmem:$0x1B580] =	vst v63  }
0x32: {  	s20 =	simm.s32 $0x6400;
	_ =	swait.ge [sflag:s7], $0x6400  }
0x33: {  	s19 =	simm.s32 $0x578;
	s18 =	simm.s32 $0x3200;
	[sflag:s7] =	ssyncset.done $0x0  }
.LBB2_2:
0x34: {  	p0 =	sne.s32 s20, $0x22600;
	s21 =	sadd.s32 $0xFFFFFDA8, s19;
	[sflag:s7] =	ssyncadd.s32 $0xFFFF9C00  }
0x35: {  	[tilespmem:s9], [sflag:$0x1] =	stream.indirect.gather [hbm4b:s2+s8], $0x80, s21, s8, $0xb8;
	[tilespmem:$0x1B580] =	vst v63  }
0x36: {  	s22 =	smov.u32 s20;
	s20 =	sadd.s32 $0x3200, s20;
	s21 =	sadd.s32 $0xFFFFFE70, s19  }
0x37: {  	[tilespmem:s10], [sflag:$0x2] =	stream.indirect.gather [hbm4b:s2+s8], $0x80, s21, s8, $0xb8;
	[tilespmem:$0x1B580] =	vst v63  }
0x38: {  	s21 =	sadd.s32 $0xFFFFFF38, s19  }
0x39: {  	[tilespmem:s11], [sflag:$0x3] =	stream.indirect.gather [hbm4b:s2+s8], $0x80, s21, s8, $0xb8;
	[tilespmem:$0x1B580] =	vst v63  }
0x3a: {  	_ = 	snop  }
0x3b: {  	[tilespmem:s12], [sflag:$0x4] =	stream.indirect.gather [hbm4b:s2+s8], $0x80, s19, s8, $0xb8;
	[tilespmem:$0x1B580] =	vst v63  }
0x3c: {  	_ =	swait.ge [sflag:s13], $0x6400  }
0x3d: {  	[sflag:s13] =	ssyncset.done $0x0  }
0x3e: {  	s21 =	sadd.s32 s18, s6;
	s18 =	smov.u32 s22;
	[sflag:s13] =	ssyncadd.s32 $0xFFFF9C00  }
0x3f: {  	[hbm4b:s21+s3] =	stream.linear.scatter [tilespmem:s9], [sflag:$0x5], $0x6400, $0x38;
	[tilespmem:$0x1B580] =	vst v63  }
0x40: {  	_ =	swait.ge [sflag:s7], $0x6400  }
0x41: {  	[sflag:s7] =	ssyncset.done $0x0  }
0x42: {  	[sflag:s7] =	ssyncadd.s32 $0xFFFF9C00  }
0x43: {  	_ =	swait.ge [sflag:s14], $0x6400  }
0x44: {  	[sflag:s14] =	ssyncset.done $0x0  }
0x45: {  	s22 =	sadd.s32 $0xC80, s21;
	[sflag:s14] =	ssyncadd.s32 $0xFFFF9C00  }
0x46: {  	[hbm4b:s22+s3] =	stream.linear.scatter [tilespmem:s10], [sflag:$0x5], $0x6400, $0x38;
	[tilespmem:$0x1B580] =	vst v63  }
0x47: {  	_ =	swait.ge [sflag:s7], $0x6400  }
0x48: {  	[sflag:s7] =	ssyncset.done $0x0  }
0x49: {  	[sflag:s7] =	ssyncadd.s32 $0xFFFF9C00  }
0x4a: {  	_ =	swait.ge [sflag:s15], $0x6400  }
0x4b: {  	[sflag:s15] =	ssyncset.done $0x0  }
0x4c: {  	s22 =	sadd.s32 $0x1900, s21;
	[sflag:s15] =	ssyncadd.s32 $0xFFFF9C00  }
0x4d: {  	[hbm4b:s22+s3] =	stream.linear.scatter [tilespmem:s11], [sflag:$0x5], $0x6400, $0x38;
	[tilespmem:$0x1B580] =	vst v63  }
0x4e: {  	_ =	swait.ge [sflag:s7], $0x6400  }
0x4f: {  	[sflag:s7] =	ssyncset.done $0x0  }
0x50: {  	[sflag:s7] =	ssyncadd.s32 $0xFFFF9C00  }
0x51: {  	_ =	swait.ge [sflag:s16], $0x6400  }
.Ltmp0:
0x52: {  	[sflag:s16] =	ssyncset.done $0x0;
	(pc) =	sbr.rel @p0 .LBB2_2-.Ltmp0, $4  }
0x53: {  	s21 =	sadd.s32 $0x2580, s21;
	[sflag:s16] =	ssyncadd.s32 $0xFFFF9C00  }
0x54: {  	[hbm4b:s21+s3] =	stream.linear.scatter [tilespmem:s12], [sflag:$0x5], $0x6400, $0x38;
	[tilespmem:$0x1B580] =	vst v63  }
0x55: {  	_ =	swait.ge [sflag:s7], $0x6400  }
0x56: {  	s19 =	sadd.s32 $0x320, s19;
	[sflag:s7] =	ssyncset.done $0x0  }
0x57: {  	s20 =	sadd.s32 $0xFFFFFDA8, s19;
	[sflag:s7] =	ssyncadd.s32 $0xFFFF9C00  }
0x58: {  	[tilespmem:s9], [sflag:$0x1] =	stream.indirect.gather [hbm4b:s2+s8], $0x80, s20, s8, $0xb8;
	[tilespmem:$0x1B580] =	vst v63  }
0x59: {  	s28 =	sadd.s32 $0xFFFFFE70, s19  }
0x5a: {  	[tilespmem:s10], [sflag:$0x2] =	stream.indirect.gather [hbm4b:s2+s8], $0x80, s28, s8, $0xb8;
	[tilespmem:$0x1B580] =	vst v63  }
0x5b: {  	s29 =	sadd.s32 $0xFFFFFF38, s19  }
0x5c: {  	[tilespmem:s11], [sflag:$0x3] =	stream.indirect.gather [hbm4b:s2+s8], $0x80, s29, s8, $0xb8;
	[tilespmem:$0x1B580] =	vst v63  }
0x5d: {  	_ = 	snop  }
0x5e: {  	[tilespmem:s12], [sflag:$0x4] =	stream.indirect.gather [hbm4b:s2+s8], $0x80, s19, s8, $0xb8;
	[tilespmem:$0x1B580] =	vst v63  }
0x5f: {  	_ =	swait.ge [sflag:s13], $0x6400  }
0x60: {  	[sflag:s13] =	ssyncset.done $0x0  }
0x61: {  	s18 =	sadd.s32 s18, s6;
	[sflag:s13] =	ssyncadd.s32 $0xFFFF9C00  }
0x62: {  	[hbm4b:s18+s3] =	stream.linear.scatter [tilespmem:s9], [sflag:$0x5], $0x6400, $0x38;
	[tilespmem:$0x1B580] =	vst v63  }
0x63: {  	_ =	swait.ge [sflag:s7], $0x6400  }
0x64: {  	[sflag:s7] =	ssyncset.done $0x0  }
0x65: {  	[sflag:s7] =	ssyncadd.s32 $0xFFFF9C00  }
0x66: {  	_ =	swait.ge [sflag:s14], $0x6400  }
0x67: {  	[sflag:s14] =	ssyncset.done $0x0  }
0x68: {  	s30 =	sadd.s32 $0xC80, s18;
	[sflag:s14] =	ssyncadd.s32 $0xFFFF9C00  }
0x69: {  	[hbm4b:s30+s3] =	stream.linear.scatter [tilespmem:s10], [sflag:$0x5], $0x6400, $0x38;
	[tilespmem:$0x1B580] =	vst v63  }
0x6a: {  	_ =	swait.ge [sflag:s7], $0x6400  }
0x6b: {  	[sflag:s7] =	ssyncset.done $0x0  }
0x6c: {  	[sflag:s7] =	ssyncadd.s32 $0xFFFF9C00  }
0x6d: {  	_ =	swait.ge [sflag:s15], $0x6400  }
0x6e: {  	[sflag:s15] =	ssyncset.done $0x0  }
0x6f: {  	s31 =	sadd.s32 $0x1900, s18;
	[sflag:s15] =	ssyncadd.s32 $0xFFFF9C00  }
0x70: {  	[hbm4b:s31+s3] =	stream.linear.scatter [tilespmem:s11], [sflag:$0x5], $0x6400, $0x38;
	[tilespmem:$0x1B580] =	vst v63  }
0x71: {  	_ =	swait.ge [sflag:s7], $0x6400  }
0x72: {  	[sflag:s7] =	ssyncset.done $0x0  }
0x73: {  	[sflag:s7] =	ssyncadd.s32 $0xFFFF9C00  }
0x74: {  	s17 =	sadd.s32 $0x1, s17;
	_ =	swait.ge [sflag:s16], $0x6400  }
0x75: {  	p0 =	sne.s32 s17, s5;
	[sflag:s16] =	ssyncset.done $0x0  }
.Ltmp1:
0x76: {  	s18 =	sadd.s32 $0x2580, s18;
	[sflag:s16] =	ssyncadd.s32 $0xFFFF9C00;
	(pc) =	sbr.rel @p0 .LBB2_1-.Ltmp1, $4  }
0x77: {  	[hbm4b:s18+s3] =	stream.linear.scatter [tilespmem:s12], [sflag:$0x5], $0x6400, $0x38;
	[tilespmem:$0x1B580] =	vst v63  }
0x78: {  	_ =	swait.ge [sflag:s7], $0x6400  }
0x79: {  	[sflag:s7] =	ssyncset.done $0x0  }
0x7a: {  	[sflag:s7] =	ssyncadd.s32 $0xFFFF9C00  }
0x7b: {  	_ =	sfence.sel $0x180000  }
0x7c: {  	[bflag:$0x0] =	sbarrier.arrive $0xFFFF  }
0x7d: {  	p0 =	sne.s32 s0, $0x0;
	_ =	strace $0x90000047  }
0x7e: {  	s0 =	sadd.s32 @!p0 $0x100000, s1;
	[bflag:$0x2] =	sbarrier.arrive $0xFFFF  }
0x7f: {  	[sflag:s0] =	ssyncadd.tile.s32 @!p0 $0x1;
	_ =	shalt  }
.Lfunc_end2:
_tile_overlayer_lowered:
.L_overlay_start_2:
0x80: {  	(tag) =	ssettag $0x2  }
0x81: {  	s0 =	rddreg [dreg:$0x0];
	s2 =	stileid.u32  }
0x82: {  	s1 =	rddreg [dreg:$0x1];
	p0 =	sne.s32 s2, $0x0  }
0x83: {  	s3 =	rddreg [dreg:$0x2];
	[bflag:$0x3] =	sbarrier.arrive $0xFFFF;
	s2 =	simm.s32 @!p0 $0x1C05  }
0x84: {  	[timem:s3], [sflag:s2] =	dma.local @!p0 [hbm:s0], s1  }
0x85: {  	s0 =	simm.s32 @!p0 $0x5  }
0x86: {  	_ =	swait.ge @!p0 [sflag:s0], s1  }
0x87: {  	s1 =	ssub.s32 @!p0 $0x0, s1;
	[sflag:s0] =	ssyncset.done @!p0 $0x0  }
0x88: {  	[sflag:s0] =	ssyncadd.s32 @!p0 s1  }
0x89: {  	[bflag:$0x3] =	sbarrier.arrive $0xFFFF  }
0x8a: {  	_ =	shalt  }

// kernel: sparse-core-data-format-call.cloned.1.call-start
scs
called_computation_lowered:
.L_overlay_start_0:
0x0: {  	s2 =	sld [smem:$0x3FD9]  }
0x1: {  	s3 =	sld [smem:$0x3FFE];
	_ =	sdelay $0x1  }
0x2: {  	s1 =	srdreg.scid  }
0x3: {  	s0 =	sand.u32 $0x1, s1  }
0x4: {  	s15 =	sshll.u32 s0, $0xA;
	s2 =	sadd.s32 s3, s2  }
0x5: {  	s2 =	sadd.s32 s2, s15  }
0x6: {  	[smem:$0x3FC5] =	sst s2  }
0x7: {  	_ = 	snop  }
0x8: {  	s2 =	sld [smem:$0x3FD0];
	_ =	sdelay $0x2  }
0x9: {  	s16 =	simm.s32 $0xA;
	s4 =	simm.s32 $0x10  }
0xa: {  	[smem:s4], [sflag:s16] =	dma.local [hbm:s2], $0x1  }
0xb: {  	_ =	swait.eq [sflag:s16], $0x1  }
0xc: {  	[sflag:s16] =	ssyncset.done $0x0  }
0xd: {  	[sflag:s16] =	ssyncadd.s32 $0xFFFFFFFF  }
0xe: {  	s17 =	sld [smem:$0x10];
	(tm) =	ssettm $0x1  }
0xf: {  	s18 =	sld [smem:$0x3FFB];
	_ =	sdelay $0x3  }
0x10: {  	_ =	strace s18  }
0x11: {  	s3 =	sld [smem:$0x3FFC];
	_ =	sdelay $0x3  }
0x12: {  	_ =	strace s3  }
0x13: {  	s3 =	sld [smem:$0x3FFD];
	_ =	sdelay $0x3  }
0x14: {  	_ =	strace s3  }
0x15: {  	_ =	strace $0x8FFFFFFF  }
0x16: {  	s19 =	sld [smem:$0x3FDB];
	_ =	sdelay $0x1  }
0x17: {  	s20 =	simm.s32 $_scs_section_size  }
0x18: {  	s5 =	simm.s32 $_size__tile_overlayer_lowered;
	s6 =	simm.s32 $_tile_overlayer_lowered  }
0x19: {  	s23 =	simm.s32 $0x1BFF;
	s22 =	sshll.u32 s6, $0x1;
	s3 =	sadd.s32 s20, s19  }
0x1a: {  	s7 =	simm.s32 $0x0;
	s21 =	sshll.u32 s5, $0x1;
	s5 =	sadd.s32 s22, s3  }
0x1b: {  	[timem:s7], [sflag:s23] =	dma.local [hbm:s5], s21  }
0x1c: {  	_ =	swait.ge [sflag:s23], s21  }
0x1d: {  	s4 =	ssub.s32 $0x0, s21;
	[sflag:s23] =	ssyncset.done $0x0  }
0x1e: {  	[sflag:s23] =	ssyncadd.s32 s4;
	_ =	sdelay $0x1  }
0x1f: {  	s24 =	simm.s32 $0x1B8B  }
0x20: {  	_ =	swait.ge [sflag:s24], $0x1  }
0x21: {  	[sflag:s24] =	ssyncset.done $0x0  }
0x22: {  	s26 =	simm.s32 $0x1B8E;
	s25 =	sld [smem:$0x3FFE];
	[sflag:s24] =	ssyncadd.s32 $0xFFFFFFFF  }
0x23: {  	s27 =	simm.s32 $execute0_lowered;
	[smem:$0x3FD2] =	sst s26  }
0x24: {  	s5 =	sshll.u32 s27, $0x1;
	_ =	strace $0x80000049;
	[dreg:$0x1] =	wrdreg $0xFFFFFFFF  }
0x25: {  	s28 =	simm.s32 $_size_execute0_lowered;
	s3 =	sadd.s32 s3, s5;
	[dreg:$0x0] =	wrdreg $0x0  }
0x26: {  	s5 =	sshll.u32 s28, $0x1;
	[dreg:$0x2] =	wrdreg s3  }
0x27: {  	[dreg:$0x3] =	wrdreg s5  }
0x28: {  	[dreg:$0x4] =	wrdreg $0xC0  }
0x29: {  	_ =	task [dreg:s7], $0x5FFFF  }
0x2a: {  	[dreg:$0x1] =	wrdreg $0xFFFFFFFF  }
0x2b: {  	[dreg:$0x0] =	wrdreg $0x60  }
0x2c: {  	[dreg:$0x2] =	wrdreg s25  }
0x2d: {  	[dreg:$0x3] =	wrdreg s17  }
0x2e: {  	[dreg:$0x4] =	wrdreg $0x9  }
0x2f: {  	_ =	task.clear_ibuf [dreg:s7], $0x5FFFF;
	_ =	strace $0x90000049  }
0x30: {  	s29 =	simm.s32 $0x9;
	_ =	strace $0x8000004B  }
0x31: {  	_ =	swait.ge [sflag:s29], $0x1  }
0x32: {  	[sflag:s29] =	ssyncadd.s32 $0xFFFFFFFF  }
0x33: {  	_ =	strace $0x9000004B  }
0x34: {  	_ =	sfence  }
0x35: {  	s30 =	sld [smem:$0x0];
	_ =	sdelay $0x2  }
0x36: {  	s31 =	sshll.u32 s1, $0xD;
	s1 =	sshrl.u32 s1, $0x2  }
0x37: {  	s3 =	sand.u32 $0x4000, s31;
	s1 =	sadd.s32 s1, s30  }
0x38: {  	s0 =	sor.u32 s3, s0;
	s1 =	sshll.u32 s1, $0x11  }
0x39: {  	s0 =	sor.u32 s1, s0  }
0x3a: {  	s0 =	sadd.s32 $0x8F2B, s0  }
0x3b: {  	[sflag:s0] =	ssyncadd.remote.s32 $0x1  }
0x3c: {  	_ =	sfence.sel $0xFFFF  }
0x3d: {  	[dreg:$0x0] =	wrdreg $0xFFFFFFFF;
	(pc) =	sbr.abs _section_cstart, $3  }
0x3e: {  	[dreg:$0x1] =	wrdreg $0xFFFFFFFF  }
0x3f: {  	_ =	task.clear_ibuf [dreg:s7], $0x2FFFF;
	_ =	strace $0x9FFFFFFF  }
0x40: {  	(tm) =	ssettm $0x7FFFFFFF  }
0x41: {  	_ =	shalt  }
tec
execute0_lowered:
.L_overlay_start_1:
0x0: {  	(tag) =	ssettag $0x1  }
0x1: {  	s0 =	srdreg.scid  }
0x2: {  	s1 =	sshll.u32 s0, $0x4  }
0x3: {  	s0 =	stileid.u32;
	s1 =	sand.u32 $0x10, s1  }
0x4: {  	s6 =	rddreg [dreg:$0x0];
	s1 =	sor.u32 s0, s1  }
0x5: {  	s4 =	simm.s32 $0x1;
	s7 =	simm.s32 $0x2;
	s2 =	sshll.u32 s1, $0x5  }
0x6: {  	s14 =	simm.s32 $0x0;
	s8 =	simm.s32 $0x1000;
	s1 =	ssub.s32 $0x400, s2  }
0x7: {  	s9 =	simm.s32 $0x20000;
	s10 =	simm.s32 $0x0;
	s3 =	sand.u32 $0x3E0, s1  }
0x8: {  	s15 =	simm.s32 $0x0;
	s5 =	sshrl.u32 s1, $0xA;
	p0 =	sne.s32 s3, $0x0  }
.Ltmp0:
0x9: {  	s1 =	rddreg [dreg:$0x2];
	s4 =	simm.s32 @!p0 $0x0;
	(pc) =	sbr.rel .LBB1_1-.Ltmp0, $4  }
0xa: {  	s11 =	simm.s32 $0x0;
	s3 =	rddreg [dreg:$0x1];
	s5 =	sadd.s32 s4, s5  }
0xb: {  	_ =	strace $0x8000004A;
	s4 =	simm.s32 $0x1;
	s5 =	smul.u32 $0x4B, s5  }
0xc: {  	s13 =	simm.s32 $0x0;
	s6 =	sadd.s32 $0xA00, s6;
	[sflag:s4] =	ssyncpa.u1 $0x0  }
0xd: {  	s12 =	smov.u32 s2;
	[sflag:s7] =	ssyncpa.u1 $0x0;
	s7 =	sadd.s32 $0x1, s5  }
.LBB1_7:
0xe: {  	s16 =	sadd.s32 $0x4, s11  }
0xf: {  	s14 =	sadd.s32 $0x400, s12;
	s18 =	smov.u32 s12;
	p1 =	sgt.s32 s16, $0x12B  }
0x10: {  	s18 =	smov.u32 @p1 s14  }
0x11: {  	s16 =	simm.s32 @p1 $0x0;
	p1 =	sgt.s32 s18, $0x3FF  }
0x12: {  	s18 =	smov.u32 @p1 s2;
	p1 =	sne.s32 s13, s7  }
.Ltmp1:
0x13: {  	p0 =	slt.u32 s13, $0x2;
	(pc) =	sbr.rel @!p1 .LBB1_8-.Ltmp1, $4  }
0x14: {  	s17 =	simm.s32 @!p0 $0x2  }
0x15: {  	s15 =	smov.u32 s12;
	s10 =	sadd.s32 $0x4000, s10;
	_ =	swait.ge @!p0 [sflag:s17], $0x4000  }
0x16: {  	s14 =	smov.u32 s11;
	[sflag:s17] =	ssyncset.done @!p0 $0x0;
	s11 =	smov.u32 s16  }
0x17: {  	s13 =	sadd.s32 $0x1, s13;
	[sflag:s17] =	ssyncadd.s32 @!p0 $0xFFFFC000;
	s12 =	smov.u32 s18  }
.LBB1_1:
0x18: {  	p0 =	sge.u32 s13, s5  }
0x19: {  	s16 =	sand.u32 @!p0 $0x1FFFFFF, s11  }
0x1a: {  	s17 =	smulhi.u32 @!p0 $0xD79436, s16;
	_ =	sdelay $0x1  }
0x1b: {  	s17 =	smul.u32 @!p0 $0x130, s17  }
0x1c: {  	s18 =	sxor.u32 @!p0 $0xFFFFFFFF, s13;
	s19 =	smul.u32 @!p0 $0x1300, s12  }
0x1d: {  	s31 =	sadd.s32 $0xFFFFFFFF, s13;
	s18 =	sshll.u32 @!p0 s18, $0xE;
	s16 =	ssub.s32 @!p0 s16, s17  }
0x1e: {  	s17 =	sand.u32 @!p0 $0x4000, s18;
	s18 =	sadd.s32 @!p0 s6, s19;
	s16 =	sshll.u32 @!p0 s16, $0x4  }
0x1f: {  	s19 =	simm.s32 @!p0 $0x9800;
	s16 =	sadd.s32 @!p0 s16, s18;
	s18 =	simm.s32 @!p0 $0x200  }
0x20: {  	[tilespmem:s17], [sflag:$0x1] =	stream.strided.gather @!p0 [hbm4b:s16+s18], $0x4000, s19, s18, $0x38;
	[tilespmem:$0x10000] =	vst v63  }
0x21: {  	p0 =	sge.u32 s31, s5  }
.Ltmp2:
0x22: {  	_ = 	snop;
	(pc) =	sbr.rel @p0 .LBB1_7-.Ltmp2, $1  }
0x23: {  	_ =	sdelay $0x3  }
0x24: {  	s17 =	sand.u32 $0x4000, s10  }
0x25: {  	_ =	swait.ge [sflag:s4], $0x4000;
	s19 =	sshll.u32 s13, $0xE;
	s16 =	sor.u32 $0x8040, s17  }
0x26: {  	s18 =	sor.u32 $0x40, s17;
	[sflag:s4] =	ssyncset.done $0x0;
	s31 =	sand.u32 $0x4000, s19  }
0x27: {  	s19 =	simm.s32 $0x0;
	[sflag:s4] =	ssyncadd.s32 $0xFFFFC000;
	s17 =	sor.u32 $0x8000, s31  }
.LBB1_3:
0x28: {  	v0 =	vmov s18;
	_ =	sdelay $0x3  }
0x29: {  	s21 =	simm.s32 $0x0  }
0x2a: {  	v6 =	vld.idx.msk [tilespmem:v0+s21+$0x30 ss:$0x1], $0xffff  }
0x2b: {  	v7 =	vld.idx.msk [tilespmem:v0+s21+$0xFFFFFFC0 ss:$0x1], $0xffff  }
0x2c: {  	v5 =	vld.idx.msk [tilespmem:v0+s21+$0xFFFFFFD0 ss:$0x1], $0xffff  }
0x2d: {  	v4 =	vld.idx.msk [tilespmem:v0+s21+$0xFFFFFFE0 ss:$0x1], $0xffff  }
0x2e: {  	v3 =	vld.idx.msk [tilespmem:v0+s21+$0xFFFFFFF0 ss:$0x1], $0xffff  }
0x2f: {  	v1 =	vld.idx.msk [tilespmem:v0+s21+$0x0 ss:$0x1], $0xffff  }
0x30: {  	v2 =	vld.idx.msk [tilespmem:v0+s21+$0x10 ss:$0x1], $0xffff;
	[tilespmem:s16+$0x30] =	vst v6  }
0x31: {  	s20 =	simm.s32 $0x80;
	s22 =	simm.s32 $0x400;
	[tilespmem:s16+$0xFFFFFFC0] =	vst v7;
	v6 =	vld.idx.msk [tilespmem:v0+s21+$0x20 ss:$0x1], $0xffff;
	s21 =	smov.u32 s16  }
.LBB1_4:
0x32: {  	p0 =	sne.s32 s22, $0x600;
	v7 =	vld.idx.msk [tilespmem:v0+s20+$0x30 ss:$0x1], $0xffff;
	[tilespmem:s21+$0xFFFFFFD0] =	vst v5  }
0x33: {  	v8 =	vld.idx.msk [tilespmem:v0+s20+$0xFFFFFFC0 ss:$0x1], $0xffff;
	[tilespmem:s21+$0xFFFFFFE0] =	vst v4  }
0x34: {  	v5 =	vld.idx.msk [tilespmem:v0+s20+$0xFFFFFFD0 ss:$0x1], $0xffff;
	[tilespmem:s21+$0xFFFFFFF0] =	vst v3  }
.Ltmp3:
0x35: {  	v4 =	vld.idx.msk [tilespmem:v0+s20+$0xFFFFFFE0 ss:$0x1], $0xffff;
	[tilespmem:s21+$0x0] =	vst v1;
	(pc) =	sbr.rel @p0 .LBB1_4-.Ltmp3, $4  }
0x36: {  	v3 =	vld.idx.msk [tilespmem:v0+s20+$0xFFFFFFF0 ss:$0x1], $0xffff;
	[tilespmem:s21+$0x10] =	vst v2  }
0x37: {  	v1 =	vld.idx.msk [tilespmem:v0+s20+$0x0 ss:$0x1], $0xffff;
	[tilespmem:s21+$0x20] =	vst v6;
	s21 =	sadd.s32 $0x1000, s21  }
0x38: {  	v2 =	vld.idx.msk [tilespmem:v0+s20+$0x10 ss:$0x1], $0xffff;
	[tilespmem:s21+$0x30] =	vst v7  }
0x39: {  	[tilespmem:s21+$0xFFFFFFC0] =	vst v8;
	v6 =	vld.idx.msk [tilespmem:v0+s20+$0x20 ss:$0x1], $0xffff;
	s20 =	sshra.s32 s22, $0x2;
	s22 =	sadd.s32 $0x200, s22  }
0x3a: {  	_ =	sdelay $0x2  }
0x3b: {  	[tilespmem:s21+$0xFFFFFFD0] =	vst v5  }
0x3c: {  	v56 =	vld.idx.msk [tilespmem:v0+s20+$0x30 ss:$0x1], $0xffff;
	[tilespmem:s21+$0xFFFFFFE0] =	vst v4  }
0x3d: {  	v57 =	vld.idx.msk [tilespmem:v0+s20+$0xFFFFFFC0 ss:$0x1], $0xffff;
	[tilespmem:s21+$0xFFFFFFF0] =	vst v3  }
0x3e: {  	v58 =	vld.idx.msk [tilespmem:v0+s20+$0xFFFFFFD0 ss:$0x1], $0xffff;
	[tilespmem:s21+$0x0] =	vst v1  }
0x3f: {  	v59 =	vld.idx.msk [tilespmem:v0+s20+$0xFFFFFFE0 ss:$0x1], $0xffff;
	[tilespmem:s21+$0x10] =	vst v2  }
0x40: {  	v60 =	vld.idx.msk [tilespmem:v0+s20+$0xFFFFFFF0 ss:$0x1], $0xffff;
	s31 =	sadd.s32 $0x1000, s21;
	[tilespmem:s21+$0x20] =	vst v6  }
0x41: {  	v61 =	vld.idx.msk [tilespmem:v0+s20+$0x0 ss:$0x1], $0xffff;
	[tilespmem:s31+$0x30] =	vst v56  }
0x42: {  	v62 =	vld.idx.msk [tilespmem:v0+s20+$0x10 ss:$0x1], $0xffff;
	s19 =	sadd.s32 $0x1, s19;
	[tilespmem:s31+$0xFFFFFFC0] =	vst v57  }
0x43: {  	v63 =	vld.idx.msk [tilespmem:v0+s20+$0x20 ss:$0x1], $0xffff;
	p0 =	sne.s32 s19, $0x20;
	[tilespmem:s31+$0xFFFFFFD0] =	vst v58  }
.Ltmp4:
0x44: {  	[tilespmem:s31+$0xFFFFFFE0] =	vst v59;
	(pc) =	sbr.rel @p0 .LBB1_3-.Ltmp4, $4  }
0x45: {  	[tilespmem:s31+$0xFFFFFFF0] =	vst v60  }
0x46: {  	[tilespmem:s31+$0x0] =	vst v61  }
0x47: {  	[tilespmem:s31+$0x10] =	vst v62  }
0x48: {  	s16 =	sadd.s32 $0x80, s16;
	s18 =	sadd.s32 $0x200, s18;
	[tilespmem:s31+$0x20] =	vst v63  }
.Ltmp5:
0x49: {  	s15 =	sshll.u32 s15, $0x4;
	(pc) =	sbr.rel .LBB1_7-.Ltmp5, $4  }
0x4a: {  	s15 =	sand.u32 $0x3FF0, s15  }
0x4b: {  	s14 =	sshll.u32 s14, $0xE;
	s15 =	sadd.s32 s3, s15  }
0x4c: {  	s14 =	sadd.s32 s14, s15  }
0x4d: {  	[hbm4b:s14+s8] =	stream.strided.scatter [tilespmem:s17], [sflag:$0x2], $0x4000, s9, s8, $0x38;
	[tilespmem:$0x10000] =	vst v63  }
.LBB1_8:
0x4e: {  	_ =	sfence.sel $0x180000  }
0x4f: {  	s2 =	simm.s32 $0x1;
	[bflag:$0x0] =	sbarrier.arrive $0xFFFF  }
0x50: {  	s31 =	simm.s32 $0x2;
	[sflag:s2] =	ssyncpa.u1 $0x1  }
0x51: {  	[sflag:s31] =	ssyncpa.u1 $0x1  }
0x52: {  	p0 =	sne.s32 s0, $0x0;
	_ =	strace $0x9000004A  }
0x53: {  	s0 =	sadd.s32 @!p0 $0x100000, s1;
	[bflag:$0x2] =	sbarrier.arrive $0xFFFF  }
0x54: {  	[sflag:s0] =	ssyncadd.tile.s32 @!p0 $0x1;
	_ =	shalt  }
.Lfunc_end1:
_tile_overlayer_lowered:
.L_overlay_start_2:
0x55: {  	(tag) =	ssettag $0x2  }
0x56: {  	s0 =	rddreg [dreg:$0x0];
	s2 =	stileid.u32  }
0x57: {  	s1 =	rddreg [dreg:$0x1];
	p0 =	sne.s32 s2, $0x0  }
0x58: {  	s3 =	rddreg [dreg:$0x2];
	[bflag:$0x3] =	sbarrier.arrive $0xFFFF;
	s2 =	simm.s32 @!p0 $0x1C01  }
0x59: {  	[timem:s3], [sflag:s2] =	dma.local @!p0 [hbm:s0], s1  }
0x5a: {  	s0 =	simm.s32 @!p0 $0x1  }
0x5b: {  	_ =	swait.ge @!p0 [sflag:s0], s1  }
0x5c: {  	s1 =	ssub.s32 @!p0 $0x0, s1;
	[sflag:s0] =	ssyncset.done @!p0 $0x0  }
0x5d: {  	[sflag:s0] =	ssyncadd.s32 @!p0 s1  }
0x5e: {  	[bflag:$0x3] =	sbarrier.arrive $0xFFFF  }
0x5f: {  	_ =	shalt  }

</sc_bundles>
